<compile_context>
chip_gen: v7x
topology: tpu7x:2x2x1
jax: 0.10.2.dev20260603
libtpu: 0.0.44.dev20260713+nightly
codegen_flags: <defaults>
</compile_context>

<pallas_src>
import functools

import jax
import jax.numpy as jnp
from jax import lax
from jax.experimental import pallas as pl
from jax.experimental.pallas import tpu as pltpu
from jax.experimental.pallas import tpu_sc as plsc

N = 10000
E = 320000
D = 128

NW = 32
L_CHUNK = 128
CH = 79
EPW = CH * L_CHUNK
E_PAD = NW * EPW
N_PAD = 10240

EC = 2048
NB = 1024
N_EC = E_PAD // EC
N_NB = N_PAD // NB

_mesh = plsc.VectorSubcoreMesh(core_axis_name="c", subcore_axis_name="s")


def _gather_body(g_hbm, row_hbm, out_hbm, rowv, rows, sem):
    c = lax.axis_index("c")
    s = lax.axis_index("s")
    wid = s * 2 + c
    base = wid * EPW
    pltpu.sync_copy(row_hbm.at[wid], rowv)

    def chunk(j, _):
        pltpu.async_copy(g_hbm.at[rowv.at[j]], rows, sem).wait()
        pltpu.sync_copy(rows, out_hbm.at[pl.ds(base + j * L_CHUNK, L_CHUNK)])
        return 0

    lax.fori_loop(0, CH, chunk, 0)


_gather_call = functools.partial(
    pl.kernel,
    _gather_body,
    out_type=jax.ShapeDtypeStruct((E_PAD, D), jnp.float32),
    mesh=_mesh,
    scratch_types=[
        pltpu.VMEM((CH, L_CHUNK), jnp.int32),
        pltpu.VMEM((L_CHUNK, D), jnp.float32),
        pltpu.SemaphoreType.DMA,
    ],
)()


def _scat_body(col_ref, g_ref, out_ref):
    n = pl.program_id(0)
    e = pl.program_id(1)

    @pl.when(e == 0)
    def _():
        out_ref[...] = jnp.zeros_like(out_ref)

    cb = col_ref[0, 0, :]
    node_ids = lax.broadcasted_iota(jnp.int32, (NB, EC), 0) + n * NB
    onehot = (node_ids == cb[None, :]).astype(jnp.bfloat16)
    out_ref[...] += jnp.dot(
        onehot, g_ref[...].astype(jnp.bfloat16), preferred_element_type=jnp.float32
    )


_scat_call = pl.pallas_call(
    _scat_body,
    grid=(N_NB, N_EC),
    in_specs=[
        pl.BlockSpec((1, 1, EC), lambda n, e: (e, 0, 0)),
        pl.BlockSpec((EC, D), lambda n, e: (e, 0)),
    ],
    out_specs=pl.BlockSpec((NB, D), lambda n, e: (n, 0)),
    out_shape=jax.ShapeDtypeStruct((N_PAD, D), jnp.float32),
)


def _deg_body(col_ref, out_ref):
    n = pl.program_id(0)
    e = pl.program_id(1)

    @pl.when(e == 0)
    def _():
        out_ref[...] = jnp.zeros_like(out_ref)

    cb = col_ref[0, 0, :]
    node_ids = lax.broadcasted_iota(jnp.int32, (NB, EC), 0) + n * NB
    onehot = (node_ids == cb[None, :]).astype(jnp.bfloat16)
    ones = jnp.ones((EC, 8), jnp.bfloat16)
    out_ref[...] += jnp.dot(onehot, ones, preferred_element_type=jnp.float32)


_deg_call = pl.pallas_call(
    _deg_body,
    grid=(N_NB, N_EC),
    in_specs=[pl.BlockSpec((1, 1, EC), lambda n, e: (e, 0, 0))],
    out_specs=pl.BlockSpec((NB, 8), lambda n, e: (n, 0)),
    out_shape=jax.ShapeDtypeStruct((N_PAD, 8), jnp.float32),
)


def _dinv(degp):
    return lax.rsqrt(degp[:N, 0:1] + 1.0)


def _tc_g1_body(x_ref, w_ref, degp_ref, g1_ref):
    dinv = _dinv(degp_ref[...])
    g1_ref[...] = dinv * jnp.dot(
        x_ref[...], w_ref[...], preferred_element_type=jnp.float32
    )


def _tc_mid_body(s1_ref, g1_ref, degp_ref, b_ref, w_ref, g2_ref):
    dinv = _dinv(degp_ref[...])
    h1 = dinv * (s1_ref[:N, :] + g1_ref[...]) + b_ref[...]
    g2_ref[...] = dinv * jnp.dot(h1, w_ref[...], preferred_element_type=jnp.float32)


def _tc_out_body(s2_ref, g2_ref, degp_ref, b_ref, w0_ref, b0_ref, w1_ref, b1_ref, out_ref):
    dinv = _dinv(degp_ref[...])
    h2 = dinv * (s2_ref[:N, :] + g2_ref[...]) + b_ref[...]
    t = jnp.dot(h2, w0_ref[...].T, preferred_element_type=jnp.float32) + b0_ref[...]
    out_ref[...] = (
        jnp.dot(t, w1_ref[...].T, preferred_element_type=jnp.float32) + b1_ref[...]
    )


_tc_g1 = pl.pallas_call(
    _tc_g1_body, out_shape=jax.ShapeDtypeStruct((N, D), jnp.float32)
)
_tc_mid = pl.pallas_call(
    _tc_mid_body, out_shape=jax.ShapeDtypeStruct((N, D), jnp.float32)
)
_tc_out = pl.pallas_call(
    _tc_out_body, out_shape=jax.ShapeDtypeStruct((N, 5), jnp.float32)
)


def kernel(x, edge_index, W_g0, b_g0, W_g1, b_g1, W_l0, b_l0, W_l1, b_l1):
    row = edge_index[0]
    col = edge_index[1]
    pad = E_PAD - E
    row3 = jnp.concatenate([row, jnp.zeros((pad,), row.dtype)]).reshape(NW, CH, L_CHUNK)
    colp = jnp.concatenate([col, jnp.full((pad,), N_PAD - 1, col.dtype)])
    col3 = colp.reshape(N_EC, 1, EC)

    degp = _deg_call(col3)
    g1 = _tc_g1(x, W_g0, degp)
    G1 = _gather_call(g1, row3)
    s1 = _scat_call(col3, G1)
    g2 = _tc_mid(s1, g1, degp, b_g0, W_g1)
    G2 = _gather_call(g2, row3)
    s2 = _scat_call(col3, G2)
    return _tc_out(s2, g2, degp, b_g1, W_l0, b_l0, W_l1, b_l1)

# --- scband reference (transcript-rebuilt; emitter-appended) ---
"""Pipeline reference for scband-graph-layer-69569880260772 (READ-ONLY COPY).

The authoritative reference and input builder live on the scoring server;
editing this copy changes nothing except your own understanding.
"""

import jax, jax.numpy as jnp
import numpy as np

N_NODES = 10000
N_EDGES = 320000
D = 128


def _gcn_conv(x, edge_index, W, b):
    # Faithful PyG GCNConv: add self-loops, symmetric normalization,
    # x' = D^{-1/2} (A+I) D^{-1/2} (x W) + b.
    # W is stored as [in_channels, out_channels] (== PyG lin.weight.T).
    n = x.shape[0]
    loop = jnp.arange(n, dtype=edge_index.dtype)
    ei = jnp.concatenate([edge_index, jnp.stack([loop, loop])], axis=1)
    row, col = ei[0], ei[1]  # messages flow src(row) -> dst(col)
    h = x @ W
    deg = jnp.zeros((n,), dtype=x.dtype).at[col].add(1.0)
    dinv = jnp.where(deg > 0, 1.0 / jnp.sqrt(deg), 0.0)
    norm = dinv[row] * dinv[col]
    out = jnp.zeros_like(h).at[col].add(norm[:, None] * h[row])
    return out + b


def setup_inputs(seed: int = 0) -> dict:
    key = jax.random.key(seed)
    ks = jax.random.split(key, 10)
    x = jax.random.normal(ks[0], (N_NODES, D), dtype=jnp.float32)
    edge_index = jax.random.randint(ks[1], (2, N_EDGES), 0, N_NODES, dtype=jnp.int32)
    # GCN layer params (channels_gnn = [128, 128, 128])
    W_g0 = jax.random.normal(ks[2], (D, D), dtype=jnp.float32) * 0.05
    b_g0 = jnp.zeros((D,), dtype=jnp.float32)
    W_g1 = jax.random.normal(ks[3], (D, D), dtype=jnp.float32) * 0.05
    b_g1 = jnp.zeros((D,), dtype=jnp.float32)
    # MLP params: channels_mlp after __init__ mutation = [128, 64, 5]
    # torch Linear weight layout [out, in]
    W_l0 = jax.random.normal(ks[4], (64, D), dtype=jnp.float32) * 0.05
    b_l0 = jnp.zeros((64,), dtype=jnp.float32)
    W_l1 = jax.random.normal(ks[5], (5, 64), dtype=jnp.float32) * 0.05
    b_l1 = jnp.zeros((5,), dtype=jnp.float32)
    return {
        "x": x, "edge_index": edge_index,
        "W_g0": W_g0, "b_g0": b_g0, "W_g1": W_g1, "b_g1": b_g1,
        "W_l0": W_l0, "b_l0": b_l0, "W_l1": W_l1, "b_l1": b_l1,
    }


def reference(x, edge_index, W_g0, b_g0, W_g1, b_g1, W_l0, b_l0, W_l1, b_l1):
    h = _gcn_conv(x, edge_index, W_g0, b_g0)
    h = _gcn_conv(h, edge_index, W_g1, b_g1)
    h = h @ W_l0.T + b_l0
    h = h @ W_l1.T + b_l1
    return h

if __name__ == "__main__":
    import jax
    _d = setup_inputs()
    print(jax.jit(kernel)(*tuple(_d.values())))

</pallas_src>

<mosaic_0001>
#map = affine_map<(d0, d1) -> (0, 0)>
#map1 = affine_map<(d0, d1) -> (0, 0, 0)>
module attributes {stable_mosaic.version = 14 : i64} {
  func.func @_gather_body(%arg0: i32, %arg1: i32, %arg2: memref<10000x128xf32, #tpu.memory_space<hbm>>, %arg3: memref<32x79x128xi32, #tpu.memory_space<hbm>>, %arg4: memref<323584x128xf32, #tpu.memory_space<hbm>>, %arg5: memref<79x128xi32, #tpu.memory_space<vmem>>, %arg6: memref<128x128xf32, #tpu.memory_space<vmem>>, %arg7: memref<!tpu.dma_semaphore, #tpu.memory_space<semaphore_mem>>) attributes {dimension_semantics = [#tpu.dimension_semantics<core_parallel>, #tpu.dimension_semantics<subcore_parallel>], iteration_bounds = array<i64: 2, 16>, scalar_prefetch = 0 : i64, scratch_operands = 3 : i64, tpu.core_type = #tpu.core_type<sc_vector_subcore>, window_params = [{transform_indices = #map}, {transform_indices = #map1}, {transform_indices = #map}]} {
    %mul3A = arith.constant 2 : i32
    %mul3A_0 = arith.muli %arg1, %mul3A : i32
    %add3A = arith.addi %mul3A_0, %arg0 : i32
    %mul3A_1 = arith.constant 10112 : i32
    %mul3A_2 = arith.muli %add3A, %mul3A_1 : i32
    "tpu.region"() ({
      %run_scoped3A = tpu.sem_alloc : memref<!tpu.dma_semaphore, #tpu.memory_space<semaphore_mem>>
      %dma_start3A = arith.constant 0 : i32
      %dma_start3A_9 = arith.constant 0 : i32
      %dma_start3A_10 = tpu.memref_slice %arg3[%add3A, %dma_start3A, %dma_start3A_9] : memref<32x79x128xi32, #tpu.memory_space<hbm>> -> memref<1x79x128xi32, #tpu.memory_space<hbm>>
      %dma_start3A_11 = tpu.memref_squeeze %dma_start3A_10 : memref<1x79x128xi32, #tpu.memory_space<hbm>> -> memref<79x128xi32, #tpu.memory_space<hbm>>
      %dma_start3A_12 = arith.constant 0 : i32
      %dma_start3A_13 = arith.constant 0 : i32
      %dma_start3A_14 = tpu.memref_slice %arg3[%add3A, %dma_start3A_12, %dma_start3A_13] : memref<32x79x128xi32, #tpu.memory_space<hbm>> -> memref<1x79x128xi32, #tpu.memory_space<hbm>>
      %dma_start3A_15 = tpu.memref_squeeze %dma_start3A_14 : memref<1x79x128xi32, #tpu.memory_space<hbm>> -> memref<79x128xi32, #tpu.memory_space<hbm>>
      tpu.enqueue_dma source(%dma_start3A_15 : memref<79x128xi32, #tpu.memory_space<hbm>>) target(%arg5 : memref<79x128xi32, #tpu.memory_space<vmem>>) target_semaphore(%run_scoped3A : memref<!tpu.dma_semaphore, #tpu.memory_space<semaphore_mem>>)
      %dma_wait3A = arith.constant 0 : i32
      %dma_wait3A_16 = arith.constant 0 : i32
      %dma_wait3A_17 = tpu.memref_slice %arg3[%add3A, %dma_wait3A, %dma_wait3A_16] : memref<32x79x128xi32, #tpu.memory_space<hbm>> -> memref<1x79x128xi32, #tpu.memory_space<hbm>>
      %dma_wait3A_18 = tpu.memref_squeeze %dma_wait3A_17 : memref<1x79x128xi32, #tpu.memory_space<hbm>> -> memref<79x128xi32, #tpu.memory_space<hbm>>
      %dma_wait3A_19 = arith.constant 0 : i32
      %dma_wait3A_20 = arith.constant 0 : i32
      %dma_wait3A_21 = tpu.memref_slice %arg3[%add3A, %dma_wait3A_19, %dma_wait3A_20] : memref<32x79x128xi32, #tpu.memory_space<hbm>> -> memref<1x79x128xi32, #tpu.memory_space<hbm>>
      %dma_wait3A_22 = tpu.memref_squeeze %dma_wait3A_21 : memref<1x79x128xi32, #tpu.memory_space<hbm>> -> memref<79x128xi32, #tpu.memory_space<hbm>>
      tpu.wait_dma2 semaphore(%run_scoped3A : memref<!tpu.dma_semaphore, #tpu.memory_space<semaphore_mem>>) src(%dma_wait3A_22 : memref<79x128xi32, #tpu.memory_space<hbm>>) dst(%arg5 : memref<79x128xi32, #tpu.memory_space<vmem>>)
      tpu.yield
    }) : () -> ()
    %scan3A = arith.constant 0 : i32
    %scan3A_3 = arith.constant 0 : i32
    %scan3A_4 = arith.constant 79 : i32
    %scan3A_5 = arith.addi %scan3A_3, %scan3A_4 : i32
    %scan3A_6 = arith.constant 1 : i32
    %scan3A_7 = scf.for %scan3A_9 = %scan3A_3 to %scan3A_5 step %scan3A_6 iter_args(%scan3A_10 = %scan3A) -> (i32)  : i32 {
      %dma_start3A = arith.constant 0 : i32
      %dma_start3A_11 = tpu.memref_slice %arg5[%scan3A_9, %dma_start3A] : memref<79x128xi32, #tpu.memory_space<vmem>> -> memref<1x128xi32, #tpu.memory_space<vmem>>
      %dma_start3A_12 = tpu.memref_squeeze %dma_start3A_11 : memref<1x128xi32, #tpu.memory_space<vmem>> -> memref<128xi32, #tpu.memory_space<vmem>>
      %dma_start3A_13 = arith.constant 0 : i32
      %dma_start3A_14 = arith.constant 0 : i32
      %dma_start3A_15 = tpu.memref_slice %arg2[%dma_start3A_13, %dma_start3A_14] : memref<10000x128xf32, #tpu.memory_space<hbm>> -> memref<10000x128xf32, #tpu.memory_space<hbm>>
      tpu.enqueue_indirect_dma source(%dma_start3A_15 : memref<10000x128xf32, #tpu.memory_space<hbm>>) target(%arg6 : memref<128x128xf32, #tpu.memory_space<vmem>>) offsets(%dma_start3A_12 : memref<128xi32, #tpu.memory_space<vmem>>) semaphore(%arg7 : memref<!tpu.dma_semaphore, #tpu.memory_space<semaphore_mem>>)
      %dma_wait3A = arith.constant 0 : i32
      %dma_wait3A_16 = tpu.memref_slice %arg5[%scan3A_9, %dma_wait3A] : memref<79x128xi32, #tpu.memory_space<vmem>> -> memref<1x128xi32, #tpu.memory_space<vmem>>
      %dma_wait3A_17 = tpu.memref_squeeze %dma_wait3A_16 : memref<1x128xi32, #tpu.memory_space<vmem>> -> memref<128xi32, #tpu.memory_space<vmem>>
      %dma_wait3A_18 = arith.constant 0 : i32
      %dma_wait3A_19 = arith.constant 0 : i32
      %dma_wait3A_20 = tpu.memref_slice %arg2[%dma_wait3A_18, %dma_wait3A_19] : memref<10000x128xf32, #tpu.memory_space<hbm>> -> memref<10000x128xf32, #tpu.memory_space<hbm>>
      tpu.wait_indirect_dma semaphore(%arg7 : memref<!tpu.dma_semaphore, #tpu.memory_space<semaphore_mem>>) src(%dma_wait3A_20 : memref<10000x128xf32, #tpu.memory_space<hbm>>) dst(%arg6 : memref<128x128xf32, #tpu.memory_space<vmem>>)
      %mul3A_21 = arith.constant 128 : i32
      %mul3A_22 = arith.muli %scan3A_9, %mul3A_21 : i32
      %add3A_23 = arith.addi %mul3A_2, %mul3A_22 : i32
      "tpu.region"() ({
        %run_scoped3A = tpu.sem_alloc : memref<!tpu.dma_semaphore, #tpu.memory_space<semaphore_mem>>
        %dma_start3A_25 = arith.constant 0 : i32
        %dma_start3A_26 = tpu.memref_slice %arg4[%add3A_23, %dma_start3A_25] : memref<323584x128xf32, #tpu.memory_space<hbm>> -> memref<128x128xf32, #tpu.memory_space<hbm>>
        %dma_start3A_27 = arith.constant 0 : i32
        %dma_start3A_28 = tpu.memref_slice %arg4[%add3A_23, %dma_start3A_27] : memref<323584x128xf32, #tpu.memory_space<hbm>> -> memref<128x128xf32, #tpu.memory_space<hbm>>
        tpu.enqueue_dma source(%arg6 : memref<128x128xf32, #tpu.memory_space<vmem>>) target(%dma_start3A_28 : memref<128x128xf32, #tpu.memory_space<hbm>>) target_semaphore(%run_scoped3A : memref<!tpu.dma_semaphore, #tpu.memory_space<semaphore_mem>>)
        %dma_wait3A_29 = arith.constant 0 : i32
        %dma_wait3A_30 = tpu.memref_slice %arg4[%add3A_23, %dma_wait3A_29] : memref<323584x128xf32, #tpu.memory_space<hbm>> -> memref<128x128xf32, #tpu.memory_space<hbm>>
        %dma_wait3A_31 = arith.constant 0 : i32
        %dma_wait3A_32 = tpu.memref_slice %arg4[%add3A_23, %dma_wait3A_31] : memref<323584x128xf32, #tpu.memory_space<hbm>> -> memref<128x128xf32, #tpu.memory_space<hbm>>
        tpu.wait_dma2 semaphore(%run_scoped3A : memref<!tpu.dma_semaphore, #tpu.memory_space<semaphore_mem>>) src(%arg6 : memref<128x128xf32, #tpu.memory_space<vmem>>) dst(%dma_wait3A_32 : memref<128x128xf32, #tpu.memory_space<hbm>>)
        tpu.yield
      }) : () -> ()
      %scan3A_24 = arith.constant 0 : i32
      scf.yield %scan3A_24 : i32
    }
    %scan3A_8 = arith.constant 79 : i32
    return
  }
}

#map = affine_map<(d0, d1) -> (0, 0)>
#map1 = affine_map<(d0, d1) -> (0, 0, 0)>
module attributes {stable_mosaic.version = 14 : i64} {
  func.func @_gather_body(%arg0: i32, %arg1: i32, %arg2: memref<10000x128xf32, #tpu.memory_space<hbm>>, %arg3: memref<32x79x128xi32, #tpu.memory_space<hbm>>, %arg4: memref<323584x128xf32, #tpu.memory_space<hbm>>, %arg5: memref<79x128xi32, #tpu.memory_space<vmem>>, %arg6: memref<128x128xf32, #tpu.memory_space<vmem>>, %arg7: memref<!tpu.dma_semaphore, #tpu.memory_space<semaphore_mem>>) attributes {dimension_semantics = [#tpu.dimension_semantics<core_parallel>, #tpu.dimension_semantics<subcore_parallel>], iteration_bounds = array<i64: 2, 16>, scalar_prefetch = 0 : i64, scratch_operands = 3 : i64, tpu.core_type = #tpu.core_type<sc_vector_subcore>, window_params = [{transform_indices = #map}, {transform_indices = #map1}, {transform_indices = #map}]} {
    %mul3A = arith.constant 2 : i32
    %mul3A_0 = arith.muli %arg1, %mul3A : i32
    %add3A = arith.addi %mul3A_0, %arg0 : i32
    %mul3A_1 = arith.constant 10112 : i32
    %mul3A_2 = arith.muli %add3A, %mul3A_1 : i32
    "tpu.region"() ({
      %run_scoped3A = tpu.sem_alloc : memref<!tpu.dma_semaphore, #tpu.memory_space<semaphore_mem>>
      %dma_start3A = arith.constant 0 : i32
      %dma_start3A_9 = arith.constant 0 : i32
      %dma_start3A_10 = tpu.memref_slice %arg3[%add3A, %dma_start3A, %dma_start3A_9] : memref<32x79x128xi32, #tpu.memory_space<hbm>> -> memref<1x79x128xi32, #tpu.memory_space<hbm>>
      %dma_start3A_11 = tpu.memref_squeeze %dma_start3A_10 : memref<1x79x128xi32, #tpu.memory_space<hbm>> -> memref<79x128xi32, #tpu.memory_space<hbm>>
      %dma_start3A_12 = arith.constant 0 : i32
      %dma_start3A_13 = arith.constant 0 : i32
      %dma_start3A_14 = tpu.memref_slice %arg3[%add3A, %dma_start3A_12, %dma_start3A_13] : memref<32x79x128xi32, #tpu.memory_space<hbm>> -> memref<1x79x128xi32, #tpu.memory_space<hbm>>
      %dma_start3A_15 = tpu.memref_squeeze %dma_start3A_14 : memref<1x79x128xi32, #tpu.memory_space<hbm>> -> memref<79x128xi32, #tpu.memory_space<hbm>>
      tpu.enqueue_dma source(%dma_start3A_15 : memref<79x128xi32, #tpu.memory_space<hbm>>) target(%arg5 : memref<79x128xi32, #tpu.memory_space<vmem>>) target_semaphore(%run_scoped3A : memref<!tpu.dma_semaphore, #tpu.memory_space<semaphore_mem>>)
      %dma_wait3A = arith.constant 0 : i32
      %dma_wait3A_16 = arith.constant 0 : i32
      %dma_wait3A_17 = tpu.memref_slice %arg3[%add3A, %dma_wait3A, %dma_wait3A_16] : memref<32x79x128xi32, #tpu.memory_space<hbm>> -> memref<1x79x128xi32, #tpu.memory_space<hbm>>
      %dma_wait3A_18 = tpu.memref_squeeze %dma_wait3A_17 : memref<1x79x128xi32, #tpu.memory_space<hbm>> -> memref<79x128xi32, #tpu.memory_space<hbm>>
      %dma_wait3A_19 = arith.constant 0 : i32
      %dma_wait3A_20 = arith.constant 0 : i32
      %dma_wait3A_21 = tpu.memref_slice %arg3[%add3A, %dma_wait3A_19, %dma_wait3A_20] : memref<32x79x128xi32, #tpu.memory_space<hbm>> -> memref<1x79x128xi32, #tpu.memory_space<hbm>>
      %dma_wait3A_22 = tpu.memref_squeeze %dma_wait3A_21 : memref<1x79x128xi32, #tpu.memory_space<hbm>> -> memref<79x128xi32, #tpu.memory_space<hbm>>
      tpu.wait_dma2 semaphore(%run_scoped3A : memref<!tpu.dma_semaphore, #tpu.memory_space<semaphore_mem>>) src(%dma_wait3A_22 : memref<79x128xi32, #tpu.memory_space<hbm>>) dst(%arg5 : memref<79x128xi32, #tpu.memory_space<vmem>>)
      tpu.yield
    }) : () -> ()
    %scan3A = arith.constant 0 : i32
    %scan3A_3 = arith.constant 0 : i32
    %scan3A_4 = arith.constant 79 : i32
    %scan3A_5 = arith.addi %scan3A_3, %scan3A_4 : i32
    %scan3A_6 = arith.constant 1 : i32
    %scan3A_7 = scf.for %scan3A_9 = %scan3A_3 to %scan3A_5 step %scan3A_6 iter_args(%scan3A_10 = %scan3A) -> (i32)  : i32 {
      %dma_start3A = arith.constant 0 : i32
      %dma_start3A_11 = tpu.memref_slice %arg5[%scan3A_9, %dma_start3A] : memref<79x128xi32, #tpu.memory_space<vmem>> -> memref<1x128xi32, #tpu.memory_space<vmem>>
      %dma_start3A_12 = tpu.memref_squeeze %dma_start3A_11 : memref<1x128xi32, #tpu.memory_space<vmem>> -> memref<128xi32, #tpu.memory_space<vmem>>
      %dma_start3A_13 = arith.constant 0 : i32
      %dma_start3A_14 = arith.constant 0 : i32
      %dma_start3A_15 = tpu.memref_slice %arg2[%dma_start3A_13, %dma_start3A_14] : memref<10000x128xf32, #tpu.memory_space<hbm>> -> memref<10000x128xf32, #tpu.memory_space<hbm>>
      tpu.enqueue_indirect_dma source(%dma_start3A_15 : memref<10000x128xf32, #tpu.memory_space<hbm>>) target(%arg6 : memref<128x128xf32, #tpu.memory_space<vmem>>) offsets(%dma_start3A_12 : memref<128xi32, #tpu.memory_space<vmem>>) semaphore(%arg7 : memref<!tpu.dma_semaphore, #tpu.memory_space<semaphore_mem>>)
      %dma_wait3A = arith.constant 0 : i32
      %dma_wait3A_16 = tpu.memref_slice %arg5[%scan3A_9, %dma_wait3A] : memref<79x128xi32, #tpu.memory_space<vmem>> -> memref<1x128xi32, #tpu.memory_space<vmem>>
      %dma_wait3A_17 = tpu.memref_squeeze %dma_wait3A_16 : memref<1x128xi32, #tpu.memory_space<vmem>> -> memref<128xi32, #tpu.memory_space<vmem>>
      %dma_wait3A_18 = arith.constant 0 : i32
      %dma_wait3A_19 = arith.constant 0 : i32
      %dma_wait3A_20 = tpu.memref_slice %arg2[%dma_wait3A_18, %dma_wait3A_19] : memref<10000x128xf32, #tpu.memory_space<hbm>> -> memref<10000x128xf32, #tpu.memory_space<hbm>>
      tpu.wait_indirect_dma semaphore(%arg7 : memref<!tpu.dma_semaphore, #tpu.memory_space<semaphore_mem>>) src(%dma_wait3A_20 : memref<10000x128xf32, #tpu.memory_space<hbm>>) dst(%arg6 : memref<128x128xf32, #tpu.memory_space<vmem>>)
      %mul3A_21 = arith.constant 128 : i32
      %mul3A_22 = arith.muli %scan3A_9, %mul3A_21 : i32
      %add3A_23 = arith.addi %mul3A_2, %mul3A_22 : i32
      "tpu.region"() ({
        %run_scoped3A = tpu.sem_alloc : memref<!tpu.dma_semaphore, #tpu.memory_space<semaphore_mem>>
        %dma_start3A_25 = arith.constant 0 : i32
        %dma_start3A_26 = tpu.memref_slice %arg4[%add3A_23, %dma_start3A_25] : memref<323584x128xf32, #tpu.memory_space<hbm>> -> memref<128x128xf32, #tpu.memory_space<hbm>>
        %dma_start3A_27 = arith.constant 0 : i32
        %dma_start3A_28 = tpu.memref_slice %arg4[%add3A_23, %dma_start3A_27] : memref<323584x128xf32, #tpu.memory_space<hbm>> -> memref<128x128xf32, #tpu.memory_space<hbm>>
        tpu.enqueue_dma source(%arg6 : memref<128x128xf32, #tpu.memory_space<vmem>>) target(%dma_start3A_28 : memref<128x128xf32, #tpu.memory_space<hbm>>) target_semaphore(%run_scoped3A : memref<!tpu.dma_semaphore, #tpu.memory_space<semaphore_mem>>)
        %dma_wait3A_29 = arith.constant 0 : i32
        %dma_wait3A_30 = tpu.memref_slice %arg4[%add3A_23, %dma_wait3A_29] : memref<323584x128xf32, #tpu.memory_space<hbm>> -> memref<128x128xf32, #tpu.memory_space<hbm>>
        %dma_wait3A_31 = arith.constant 0 : i32
        %dma_wait3A_32 = tpu.memref_slice %arg4[%add3A_23, %dma_wait3A_31] : memref<323584x128xf32, #tpu.memory_space<hbm>> -> memref<128x128xf32, #tpu.memory_space<hbm>>
        tpu.wait_dma2 semaphore(%run_scoped3A : memref<!tpu.dma_semaphore, #tpu.memory_space<semaphore_mem>>) src(%arg6 : memref<128x128xf32, #tpu.memory_space<vmem>>) dst(%dma_wait3A_32 : memref<128x128xf32, #tpu.memory_space<hbm>>)
        tpu.yield
      }) : () -> ()
      %scan3A_24 = arith.constant 0 : i32
      scf.yield %scan3A_24 : i32
    }
    %scan3A_8 = arith.constant 79 : i32
    return
  }
}

module attributes {stable_mosaic.version = 14 : i64} {
  func.func @_deg_body(%arg0: i32, %arg1: i32, %arg2: memref<1x1x2048xi32, #tpu.memory_space<vmem>>, %arg3: memref<1024x8xf32, #tpu.memory_space<vmem>>) attributes {dimension_semantics = [#tpu.dimension_semantics<arbitrary>, #tpu.dimension_semantics<arbitrary>], iteration_bounds = array<i64: 10, 158>, scalar_prefetch = 0 : i64, scratch_operands = 0 : i64, tpu.core_type = #tpu.core_type<tc>, window_params = [{transform_indices = @transform_0, window_bounds = array<i64: 1, 1, 2048>}, {transform_indices = @transform_1, window_bounds = array<i64: 1024, 8>}]} {
    %eq3A = arith.constant 0 : i32
    %eq3A_0 = arith.cmpi eq, %arg1, %eq3A : i32
    %convert_element_type3A = arith.extui %eq3A_0 : i1 to i32
    %cond3A = arith.constant 0 : i32
    %cond3A_1 = arith.cmpi ne, %convert_element_type3A, %cond3A : i32
    scf.if %cond3A_1 {
      %broadcast_in_dim3A_22 = arith.constant 0.000000e+00 : f32
      %broadcast_in_dim3A_23 = vector.broadcast %broadcast_in_dim3A_22 : f32 to vector<1024x8xf32>
      %swap3A_24 = arith.constant 0 : index
      %swap3A_25 = arith.constant 0 : index
      %swap3A_26 = vector.load %arg3[%swap3A_24, %swap3A_25] : memref<1024x8xf32, #tpu.memory_space<vmem>>, vector<1024x8xf32>
      tpu.vector_store %arg3[%swap3A_24, %swap3A_25], %broadcast_in_dim3A_23 {strides = array<i32>} : memref<1024x8xf32, #tpu.memory_space<vmem>>, vector<1024x8xf32>,
    } else {
    }
    %get3A = arith.constant 0 : index
    %get3A_2 = arith.constant 0 : index
    %get3A_3 = arith.constant 0 : index
    %get3A_4 = vector.load %arg2[%get3A, %get3A_2, %get3A_3] : memref<1x1x2048xi32, #tpu.memory_space<vmem>>, vector<1x1x2048xi32>
    %get3A_5 = vector.shape_cast %get3A_4 : vector<1x1x2048xi32> to vector<2048xi32>
    %iota3A = tpu.iota {dimensions = array<i32: 0>} : vector<1024x2048xi32>
    %mul3A = arith.constant 1024 : i32
    %mul3A_6 = arith.muli %arg0, %mul3A : i32
    %add3A = vector.broadcast %mul3A_6 : i32 to vector<1024x2048xi32>
    %add3A_7 = arith.addi %iota3A, %add3A : vector<1024x2048xi32>
    %broadcast_in_dim3A = vector.shape_cast %get3A_5 : vector<2048xi32> to vector<1x2048xi32>
    %eq3A_8 = vector.broadcast %broadcast_in_dim3A : vector<1x2048xi32> to vector<1024x2048xi32>
    %eq3A_9 = arith.cmpi eq, %add3A_7, %eq3A_8 : vector<1024x2048xi32>
    %convert_element_type3A_10 = arith.extui %eq3A_9 : vector<1024x2048xi1> to vector<1024x2048xi32>
    %convert_element_type3A_11 = arith.sitofp %convert_element_type3A_10 : vector<1024x2048xi32> to vector<1024x2048xf32>
    %convert_element_type3A_12 = arith.truncf %convert_element_type3A_11 : vector<1024x2048xf32> to vector<1024x2048xbf16>
    %broadcast_in_dim3A_13 = arith.constant 1.000000e+00 : bf16
    %broadcast_in_dim3A_14 = vector.broadcast %broadcast_in_dim3A_13 : bf16 to vector<2048x8xbf16>
    %get3A_15 = arith.constant 0 : index
    %get3A_16 = arith.constant 0 : index
    %get3A_17 = vector.load %arg3[%get3A_15, %get3A_16] : memref<1024x8xf32, #tpu.memory_space<vmem>>, vector<1024x8xf32>
    %dot_general3A = arith.constant dense<0.000000e+00> : vector<1024x8xf32>
    %dot_general3A_18 = tpu.matmul %convert_element_type3A_12, %broadcast_in_dim3A_14, %dot_general3A {dimension_numbers = #tpu.dot_dimension_numbers<[1], [0], [0], [1], [0, 0, 1, 1], [], []>, transpose_lhs_hint = false} : vector<1024x2048xbf16>, vector<2048x8xbf16>, vector<1024x8xf32> -> vector<1024x8xf32>
    %add3A_19 = arith.addf %get3A_17, %dot_general3A_18 : vector<1024x8xf32>
    %swap3A = arith.constant 0 : index
    %swap3A_20 = arith.constant 0 : index
    %swap3A_21 = vector.load %arg3[%swap3A, %swap3A_20] : memref<1024x8xf32, #tpu.memory_space<vmem>>, vector<1024x8xf32>
    tpu.vector_store %arg3[%swap3A, %swap3A_20], %add3A_19 {strides = array<i32>} : memref<1024x8xf32, #tpu.memory_space<vmem>>, vector<1024x8xf32>,
    return
  }
  func.func @transform_0(%arg0: i32, %arg1: i32) -> (i32, i32, i32) {
    %c0_i32 = arith.constant 0 : i32
    %c0_i32_0 = arith.constant 0 : i32
    %c0_i32_1 = arith.constant 0 : i32
    return %arg1, %c0_i32, %c0_i32_0 : i32, i32, i32
  }
  func.func @transform_1(%arg0: i32, %arg1: i32) -> (i32, i32) {
    %c0_i32 = arith.constant 0 : i32
    %c0_i32_0 = arith.constant 0 : i32
    return %arg0, %c0_i32 : i32, i32
  }
}

module attributes {stable_mosaic.version = 14 : i64} {
  func.func @_scat_body(%arg0: i32, %arg1: i32, %arg2: memref<1x1x2048xi32, #tpu.memory_space<vmem>>, %arg3: memref<2048x128xf32, #tpu.memory_space<vmem>>, %arg4: memref<1024x128xf32, #tpu.memory_space<vmem>>) attributes {dimension_semantics = [#tpu.dimension_semantics<arbitrary>, #tpu.dimension_semantics<arbitrary>], iteration_bounds = array<i64: 10, 158>, scalar_prefetch = 0 : i64, scratch_operands = 0 : i64, tpu.core_type = #tpu.core_type<tc>, window_params = [{transform_indices = @transform_0, window_bounds = array<i64: 1, 1, 2048>}, {transform_indices = @transform_1, window_bounds = array<i64: 2048, 128>}, {transform_indices = @transform_2, window_bounds = array<i64: 1024, 128>}]} {
    %eq3A = arith.constant 0 : i32
    %eq3A_0 = arith.cmpi eq, %arg1, %eq3A : i32
    %convert_element_type3A = arith.extui %eq3A_0 : i1 to i32
    %cond3A = arith.constant 0 : i32
    %cond3A_1 = arith.cmpi ne, %convert_element_type3A, %cond3A : i32
    scf.if %cond3A_1 {
      %broadcast_in_dim3A_24 = arith.constant 0.000000e+00 : f32
      %broadcast_in_dim3A_25 = vector.broadcast %broadcast_in_dim3A_24 : f32 to vector<1024x128xf32>
      %swap3A_26 = arith.constant 0 : index
      %swap3A_27 = arith.constant 0 : index
      %swap3A_28 = vector.load %arg4[%swap3A_26, %swap3A_27] : memref<1024x128xf32, #tpu.memory_space<vmem>>, vector<1024x128xf32>
      tpu.vector_store %arg4[%swap3A_26, %swap3A_27], %broadcast_in_dim3A_25 {strides = array<i32>} : memref<1024x128xf32, #tpu.memory_space<vmem>>, vector<1024x128xf32>,
    } else {
    }
    %get3A = arith.constant 0 : index
    %get3A_2 = arith.constant 0 : index
    %get3A_3 = arith.constant 0 : index
    %get3A_4 = vector.load %arg2[%get3A, %get3A_2, %get3A_3] : memref<1x1x2048xi32, #tpu.memory_space<vmem>>, vector<1x1x2048xi32>
    %get3A_5 = vector.shape_cast %get3A_4 : vector<1x1x2048xi32> to vector<2048xi32>
    %iota3A = tpu.iota {dimensions = array<i32: 0>} : vector<1024x2048xi32>
    %mul3A = arith.constant 1024 : i32
    %mul3A_6 = arith.muli %arg0, %mul3A : i32
    %add3A = vector.broadcast %mul3A_6 : i32 to vector<1024x2048xi32>
    %add3A_7 = arith.addi %iota3A, %add3A : vector<1024x2048xi32>
    %broadcast_in_dim3A = vector.shape_cast %get3A_5 : vector<2048xi32> to vector<1x2048xi32>
    %eq3A_8 = vector.broadcast %broadcast_in_dim3A : vector<1x2048xi32> to vector<1024x2048xi32>
    %eq3A_9 = arith.cmpi eq, %add3A_7, %eq3A_8 : vector<1024x2048xi32>
    %convert_element_type3A_10 = arith.extui %eq3A_9 : vector<1024x2048xi1> to vector<1024x2048xi32>
    %convert_element_type3A_11 = arith.sitofp %convert_element_type3A_10 : vector<1024x2048xi32> to vector<1024x2048xf32>
    %convert_element_type3A_12 = arith.truncf %convert_element_type3A_11 : vector<1024x2048xf32> to vector<1024x2048xbf16>
    %get3A_13 = arith.constant 0 : index
    %get3A_14 = arith.constant 0 : index
    %get3A_15 = vector.load %arg4[%get3A_13, %get3A_14] : memref<1024x128xf32, #tpu.memory_space<vmem>>, vector<1024x128xf32>
    %get3A_16 = arith.constant 0 : index
    %get3A_17 = arith.constant 0 : index
    %get3A_18 = vector.load %arg3[%get3A_16, %get3A_17] : memref<2048x128xf32, #tpu.memory_space<vmem>>, vector<2048x128xf32>
    %convert_element_type3A_19 = arith.truncf %get3A_18 : vector<2048x128xf32> to vector<2048x128xbf16>
    %dot_general3A = arith.constant dense<0.000000e+00> : vector<1024x128xf32>
    %dot_general3A_20 = tpu.matmul %convert_element_type3A_12, %convert_element_type3A_19, %dot_general3A {dimension_numbers = #tpu.dot_dimension_numbers<[1], [0], [0], [1], [0, 0, 1, 1], [], []>, transpose_lhs_hint = false} : vector<1024x2048xbf16>, vector<2048x128xbf16>, vector<1024x128xf32> -> vector<1024x128xf32>
    %add3A_21 = arith.addf %get3A_15, %dot_general3A_20 : vector<1024x128xf32>
    %swap3A = arith.constant 0 : index
    %swap3A_22 = arith.constant 0 : index
    %swap3A_23 = vector.load %arg4[%swap3A, %swap3A_22] : memref<1024x128xf32, #tpu.memory_space<vmem>>, vector<1024x128xf32>
    tpu.vector_store %arg4[%swap3A, %swap3A_22], %add3A_21 {strides = array<i32>} : memref<1024x128xf32, #tpu.memory_space<vmem>>, vector<1024x128xf32>,
    return
  }
  func.func @transform_0(%arg0: i32, %arg1: i32) -> (i32, i32, i32) {
    %c0_i32 = arith.constant 0 : i32
    %c0_i32_0 = arith.constant 0 : i32
    %c0_i32_1 = arith.constant 0 : i32
    return %arg1, %c0_i32, %c0_i32_0 : i32, i32, i32
  }
  func.func @transform_1(%arg0: i32, %arg1: i32) -> (i32, i32) {
    %c0_i32 = arith.constant 0 : i32
    %c0_i32_0 = arith.constant 0 : i32
    return %arg1, %c0_i32 : i32, i32
  }
  func.func @transform_2(%arg0: i32, %arg1: i32) -> (i32, i32) {
    %c0_i32 = arith.constant 0 : i32
    %c0_i32_0 = arith.constant 0 : i32
    return %arg0, %c0_i32 : i32, i32
  }
}

module attributes {stable_mosaic.version = 14 : i64} {
  func.func @_tc_g1_body(%arg0: memref<10000x128xf32, #tpu.memory_space<vmem>>, %arg1: memref<128x128xf32, #tpu.memory_space<vmem>>, %arg2: memref<10240x8xf32, #tpu.memory_space<vmem>>, %arg3: memref<10000x128xf32, #tpu.memory_space<vmem>>) attributes {dimension_semantics = [], scalar_prefetch = 0 : i64, scratch_operands = 0 : i64, tpu.core_type = #tpu.core_type<tc>} {
    %get3A = arith.constant 0 : index
    %get3A_0 = arith.constant 0 : index
    %get3A_1 = vector.load %arg2[%get3A, %get3A_0] : memref<10240x8xf32, #tpu.memory_space<vmem>>, vector<10240x8xf32>
    %slice3A = vector.extract_strided_slice %get3A_1 {offsets = [0, 0], sizes = [10000, 1], strides = [1, 1]} : vector<10240x8xf32> to vector<10000x1xf32>
    %add3A = arith.constant 1.000000e+00 : f32
    %add3A_2 = vector.broadcast %add3A : f32 to vector<10000x1xf32>
    %add3A_3 = arith.addf %slice3A, %add3A_2 : vector<10000x1xf32>
    %rsqrt3A = math.rsqrt %add3A_3 : vector<10000x1xf32>
    %get3A_4 = arith.constant 0 : index
    %get3A_5 = arith.constant 0 : index
    %get3A_6 = vector.load %arg0[%get3A_4, %get3A_5] : memref<10000x128xf32, #tpu.memory_space<vmem>>, vector<10000x128xf32>
    %get3A_7 = arith.constant 0 : index
    %get3A_8 = arith.constant 0 : index
    %get3A_9 = vector.load %arg1[%get3A_7, %get3A_8] : memref<128x128xf32, #tpu.memory_space<vmem>>, vector<128x128xf32>
    %dot_general3A = arith.constant dense<0.000000e+00> : vector<10000x128xf32>
    %dot_general3A_10 = tpu.matmul %get3A_6, %get3A_9, %dot_general3A {dimension_numbers = #tpu.dot_dimension_numbers<[1], [0], [0], [1], [0, 0, 1, 1], [], []>, transpose_lhs_hint = false} : vector<10000x128xf32>, vector<128x128xf32>, vector<10000x128xf32> -> vector<10000x128xf32>
    %mul3A = vector.broadcast %rsqrt3A : vector<10000x1xf32> to vector<10000x128xf32>
    %mul3A_11 = arith.mulf %mul3A, %dot_general3A_10 : vector<10000x128xf32>
    %swap3A = arith.constant 0 : index
    %swap3A_12 = arith.constant 0 : index
    %swap3A_13 = vector.load %arg3[%swap3A, %swap3A_12] : memref<10000x128xf32, #tpu.memory_space<vmem>>, vector<10000x128xf32>
    tpu.vector_store %arg3[%swap3A, %swap3A_12], %mul3A_11 {strides = array<i32>} : memref<10000x128xf32, #tpu.memory_space<vmem>>, vector<10000x128xf32>,
    return
  }
}

module attributes {stable_mosaic.version = 14 : i64} {
  func.func @_tc_mid_body(%arg0: memref<10240x128xf32, #tpu.memory_space<vmem>>, %arg1: memref<10000x128xf32, #tpu.memory_space<vmem>>, %arg2: memref<10240x8xf32, #tpu.memory_space<vmem>>, %arg3: memref<128xf32, #tpu.memory_space<vmem>>, %arg4: memref<128x128xf32, #tpu.memory_space<vmem>>, %arg5: memref<10000x128xf32, #tpu.memory_space<vmem>>) attributes {dimension_semantics = [], scalar_prefetch = 0 : i64, scratch_operands = 0 : i64, tpu.core_type = #tpu.core_type<tc>} {
    %get3A = arith.constant 0 : index
    %get3A_0 = arith.constant 0 : index
    %get3A_1 = vector.load %arg2[%get3A, %get3A_0] : memref<10240x8xf32, #tpu.memory_space<vmem>>, vector<10240x8xf32>
    %slice3A = vector.extract_strided_slice %get3A_1 {offsets = [0, 0], sizes = [10000, 1], strides = [1, 1]} : vector<10240x8xf32> to vector<10000x1xf32>
    %add3A = arith.constant 1.000000e+00 : f32
    %add3A_2 = vector.broadcast %add3A : f32 to vector<10000x1xf32>
    %add3A_3 = arith.addf %slice3A, %add3A_2 : vector<10000x1xf32>
    %rsqrt3A = math.rsqrt %add3A_3 : vector<10000x1xf32>
    %get3A_4 = arith.constant 0 : index
    %get3A_5 = arith.constant 0 : index
    %get3A_6 = vector.load %arg0[%get3A_4, %get3A_5] : memref<10240x128xf32, #tpu.memory_space<vmem>>, vector<10000x128xf32>
    %get3A_7 = arith.constant 0 : index
    %get3A_8 = arith.constant 0 : index
    %get3A_9 = vector.load %arg1[%get3A_7, %get3A_8] : memref<10000x128xf32, #tpu.memory_space<vmem>>, vector<10000x128xf32>
    %add3A_10 = arith.addf %get3A_6, %get3A_9 : vector<10000x128xf32>
    %mul3A = vector.broadcast %rsqrt3A : vector<10000x1xf32> to vector<10000x128xf32>
    %mul3A_11 = arith.mulf %mul3A, %add3A_10 : vector<10000x128xf32>
    %get3A_12 = arith.constant 0 : index
    %get3A_13 = vector.load %arg3[%get3A_12] : memref<128xf32, #tpu.memory_space<vmem>>, vector<128xf32>
    %broadcast_in_dim3A = vector.shape_cast %get3A_13 : vector<128xf32> to vector<1x128xf32>
    %add3A_14 = vector.broadcast %broadcast_in_dim3A : vector<1x128xf32> to vector<10000x128xf32>
    %add3A_15 = arith.addf %mul3A_11, %add3A_14 : vector<10000x128xf32>
    %get3A_16 = arith.constant 0 : index
    %get3A_17 = arith.constant 0 : index
    %get3A_18 = vector.load %arg4[%get3A_16, %get3A_17] : memref<128x128xf32, #tpu.memory_space<vmem>>, vector<128x128xf32>
    %dot_general3A = arith.constant dense<0.000000e+00> : vector<10000x128xf32>
    %dot_general3A_19 = tpu.matmul %add3A_15, %get3A_18, %dot_general3A {dimension_numbers = #tpu.dot_dimension_numbers<[1], [0], [0], [1], [0, 0, 1, 1], [], []>, transpose_lhs_hint = false} : vector<10000x128xf32>, vector<128x128xf32>, vector<10000x128xf32> -> vector<10000x128xf32>
    %mul3A_20 = vector.broadcast %rsqrt3A : vector<10000x1xf32> to vector<10000x128xf32>
    %mul3A_21 = arith.mulf %mul3A_20, %dot_general3A_19 : vector<10000x128xf32>
    %swap3A = arith.constant 0 : index
    %swap3A_22 = arith.constant 0 : index
    %swap3A_23 = vector.load %arg5[%swap3A, %swap3A_22] : memref<10000x128xf32, #tpu.memory_space<vmem>>, vector<10000x128xf32>
    tpu.vector_store %arg5[%swap3A, %swap3A_22], %mul3A_21 {strides = array<i32>} : memref<10000x128xf32, #tpu.memory_space<vmem>>, vector<10000x128xf32>,
    return
  }
}

module attributes {stable_mosaic.version = 14 : i64} {
  func.func @_tc_out_body(%arg0: memref<10240x128xf32, #tpu.memory_space<vmem>>, %arg1: memref<10000x128xf32, #tpu.memory_space<vmem>>, %arg2: memref<10240x8xf32, #tpu.memory_space<vmem>>, %arg3: memref<128xf32, #tpu.memory_space<vmem>>, %arg4: memref<64x128xf32, #tpu.memory_space<vmem>>, %arg5: memref<64xf32, #tpu.memory_space<vmem>>, %arg6: memref<5x64xf32, #tpu.memory_space<vmem>>, %arg7: memref<5xf32, #tpu.memory_space<vmem>>, %arg8: memref<10000x5xf32, #tpu.memory_space<vmem>>) attributes {dimension_semantics = [], scalar_prefetch = 0 : i64, scratch_operands = 0 : i64, tpu.core_type = #tpu.core_type<tc>} {
    %get3A = arith.constant 0 : index
    %get3A_0 = arith.constant 0 : index
    %get3A_1 = vector.load %arg2[%get3A, %get3A_0] : memref<10240x8xf32, #tpu.memory_space<vmem>>, vector<10240x8xf32>
    %slice3A = vector.extract_strided_slice %get3A_1 {offsets = [0, 0], sizes = [10000, 1], strides = [1, 1]} : vector<10240x8xf32> to vector<10000x1xf32>
    %add3A = arith.constant 1.000000e+00 : f32
    %add3A_2 = vector.broadcast %add3A : f32 to vector<10000x1xf32>
    %add3A_3 = arith.addf %slice3A, %add3A_2 : vector<10000x1xf32>
    %rsqrt3A = math.rsqrt %add3A_3 : vector<10000x1xf32>
    %get3A_4 = arith.constant 0 : index
    %get3A_5 = arith.constant 0 : index
    %get3A_6 = vector.load %arg0[%get3A_4, %get3A_5] : memref<10240x128xf32, #tpu.memory_space<vmem>>, vector<10000x128xf32>
    %get3A_7 = arith.constant 0 : index
    %get3A_8 = arith.constant 0 : index
    %get3A_9 = vector.load %arg1[%get3A_7, %get3A_8] : memref<10000x128xf32, #tpu.memory_space<vmem>>, vector<10000x128xf32>
    %add3A_10 = arith.addf %get3A_6, %get3A_9 : vector<10000x128xf32>
    %mul3A = vector.broadcast %rsqrt3A : vector<10000x1xf32> to vector<10000x128xf32>
    %mul3A_11 = arith.mulf %mul3A, %add3A_10 : vector<10000x128xf32>
    %get3A_12 = arith.constant 0 : index
    %get3A_13 = vector.load %arg3[%get3A_12] : memref<128xf32, #tpu.memory_space<vmem>>, vector<128xf32>
    %broadcast_in_dim3A = vector.shape_cast %get3A_13 : vector<128xf32> to vector<1x128xf32>
    %add3A_14 = vector.broadcast %broadcast_in_dim3A : vector<1x128xf32> to vector<10000x128xf32>
    %add3A_15 = arith.addf %mul3A_11, %add3A_14 : vector<10000x128xf32>
    %get3A_16 = arith.constant 0 : index
    %get3A_17 = arith.constant 0 : index
    %get3A_18 = vector.load %arg4[%get3A_16, %get3A_17] : memref<64x128xf32, #tpu.memory_space<vmem>>, vector<64x128xf32>
    %transpose3A = tpu.transpose %get3A_18, [1, 0] : vector<64x128xf32> -> vector<128x64xf32>
    %dot_general3A = arith.constant dense<0.000000e+00> : vector<10000x64xf32>
    %dot_general3A_19 = tpu.matmul %add3A_15, %transpose3A, %dot_general3A {dimension_numbers = #tpu.dot_dimension_numbers<[1], [0], [0], [1], [0, 0, 1, 1], [], []>, transpose_lhs_hint = false} : vector<10000x128xf32>, vector<128x64xf32>, vector<10000x64xf32> -> vector<10000x64xf32>
    %get3A_20 = arith.constant 0 : index
    %get3A_21 = vector.load %arg5[%get3A_20] : memref<64xf32, #tpu.memory_space<vmem>>, vector<64xf32>
    %broadcast_in_dim3A_22 = vector.shape_cast %get3A_21 : vector<64xf32> to vector<1x64xf32>
    %add3A_23 = vector.broadcast %broadcast_in_dim3A_22 : vector<1x64xf32> to vector<10000x64xf32>
    %add3A_24 = arith.addf %dot_general3A_19, %add3A_23 : vector<10000x64xf32>
    %get3A_25 = arith.constant 0 : index
    %get3A_26 = arith.constant 0 : index
    %get3A_27 = vector.load %arg6[%get3A_25, %get3A_26] : memref<5x64xf32, #tpu.memory_space<vmem>>, vector<5x64xf32>
    %transpose3A_28 = tpu.transpose %get3A_27, [1, 0] : vector<5x64xf32> -> vector<64x5xf32>
    %dot_general3A_29 = arith.constant dense<0.000000e+00> : vector<10000x5xf32>
    %dot_general3A_30 = tpu.matmul %add3A_24, %transpose3A_28, %dot_general3A_29 {dimension_numbers = #tpu.dot_dimension_numbers<[1], [0], [0], [1], [0, 0, 1, 1], [], []>, transpose_lhs_hint = false} : vector<10000x64xf32>, vector<64x5xf32>, vector<10000x5xf32> -> vector<10000x5xf32>
    %get3A_31 = arith.constant 0 : index
    %get3A_32 = vector.load %arg7[%get3A_31] : memref<5xf32, #tpu.memory_space<vmem>>, vector<5xf32>
    %broadcast_in_dim3A_33 = vector.shape_cast %get3A_32 : vector<5xf32> to vector<1x5xf32>
    %add3A_34 = vector.broadcast %broadcast_in_dim3A_33 : vector<1x5xf32> to vector<10000x5xf32>
    %add3A_35 = arith.addf %dot_general3A_30, %add3A_34 : vector<10000x5xf32>
    %swap3A = arith.constant 0 : index
    %swap3A_36 = arith.constant 0 : index
    %swap3A_37 = vector.load %arg8[%swap3A, %swap3A_36] : memref<10000x5xf32, #tpu.memory_space<vmem>>, vector<10000x5xf32>
    tpu.vector_store %arg8[%swap3A, %swap3A_36], %add3A_35 {strides = array<i32>} : memref<10000x5xf32, #tpu.memory_space<vmem>>, vector<10000x5xf32>,
    return
  }
}

</mosaic_0001>

<sc_bundles>
// kernel: kernel.10.cloned.1.call-start
scs
__scs_entry_jumppad:
0x0: {  	(pc) =	sbr.rel $0x88, $3  }
0x1: {  	(tag) =	ssettag $0x0;
	lr =	simm.s32 $0x1  }
0x2: {  	[smem:$0x3F97] =	sst lr;
	_ =	strace $0xD0000000  }
0x3: {  	_ = 	snop  }
0x4: {  	_ = 	snop  }
0x5: {  	_ = 	snop  }
0x6: {  	_ = 	snop  }
0x7: {  	_ = 	snop  }
__scs_overlays_trampoline_lowered:
0x8: {  	[smem:$0x3FA6] =	sst s0  }
0x9: {  	[smem:$0x3FA7] =	sst s1  }
0xa: {  	[smem:$0x3FA8] =	sst s2  }
0xb: {  	[smem:$0x3FA9] =	sst s3  }
0xc: {  	[smem:$0x3FAA] =	sst s4  }
0xd: {  	[smem:$0x3FAB] =	sst s5  }
0xe: {  	[smem:$0x3FAC] =	sst s6  }
0xf: {  	[smem:$0x3FAD] =	sst s7  }
0x10: {  	[smem:$0x3FAE] =	sst s8  }
0x11: {  	[smem:$0x3FAF] =	sst s9;
	s0 =	simm.s32 @!p0 $0x0  }
0x12: {  	s1 =	sld [smem:$0x3F95];
	s0 =	simm.s32 @p0 $0x1  }
0x13: {  	[smem:$0x3FB0] =	sst s0;
	s0 =	simm.s32 @!p1 $0x0  }
0x14: {  	s2 =	sld [smem:$0x3F94];
	s0 =	simm.s32 @p1 $0x1  }
0x15: {  	[smem:$0x3FB1] =	sst s0;
	s0 =	simm.s32 @!p2 $0x0  }
0x16: {  	s3 =	sld [smem:$0x3FDB];
	s0 =	simm.s32 @p2 $0x1  }
0x17: {  	s4 =	simm.s32 $0x1BF5;
	[smem:$0x3FB3] =	sst s0  }
0x18: {  	s0 =	sld [smem:$0x3F96];
	_ =	swait.ge [sflag:s4], $0x0  }
0x19: {  	s7 =	sld [smem:$0x3F97]  }
0x1a: {  	s8 =	sadd.s32 $0xFFFFE003, lr  }
0x1b: {  	s9 =	sadd.s32 $0xFFFFFEF7, lr;
	s5 =	simm.s32 $0xFFFFFFFF;
	p2 =	slt.u32 s8, $0xFFFFF086  }
0x1c: {  	p1 =	slt.u32 s9, $0xF7A;
	s5 =	simm.s32 @!p2 $0x0  }
0x1d: {  	s5 =	simm.s32 @p1 $0x1;
	p0 =	seq.s32 s7, s2  }
0x1e: {  	s7 =	smul.u32 @!p0 $0xF7A, s2;
	p2 =	seq.s32 @!p0 s5, $0x0  }
0x1f: {  	s9 =	smul.u32 $0xF7A, s1;
	s8 =	simm.s32 @!p0 $0x1BF5;
	p2 =	por !p2, p0  }
0x20: {  	[sflag:s8] =	ssyncset.s32 @!p0 $0xFFFFF086;
	s6 =	sadd.s32 @!p0 s3, s7;
	s7 =	simm.s32 @!p0 $0x108  }
0x21: {  	s3 =	sadd.s32 s3, s9;
	s6 =	sadd.s32 @!p0 $0x88, s6;
	s7 =	simm.s32 @p2 $0x1082  }
0x22: {  	[simem:s7], [sflag:s8] =	dma.local @!p0 [hbm:s6], $0xF7A  }
0x23: {  	s9 =	sor.u32 $0xD0000000, s2;
	s6 =	simm.s32 $0x108;
	_ =	swait.ge @!p0 [sflag:s8], $0x0  }
0x24: {  	s3 =	sadd.s32 $0x88, s3;
	s6 =	simm.s32 @!p1 $0x1082;
	[sflag:s4] =	ssyncset.s32 $0xFFFFF086  }
0x25: {  	[simem:s6], [sflag:s4] =	dma.local [hbm:s3], $0xF7A  }
0x26: {  	[smem:$0x3F97] =	sst s1;
	(tag) =	ssettag s2;
	_ =	strace s9  }
0x27: {  	s1 =	sld [smem:$0x3FA7]  }
0x28: {  	s2 =	sld [smem:$0x3FA8]  }
0x29: {  	s4 =	sld [smem:$0x3FAA]  }
0x2a: {  	p0 =	seq.s32 s5, $0x0;
	s5 =	sld [smem:$0x3FAB]  }
0x2b: {  	s6 =	sld [smem:$0x3FAC]  }
0x2c: {  	s7 =	sld [smem:$0x3FAD]  }
0x2d: {  	s3 =	simm.s32 $0x108;
	s8 =	sld [smem:$0x3FAE]  }
0x2e: {  	s3 =	simm.s32 @!p0 $0x1082;
	s9 =	sld [smem:$0x3FAF]  }
0x2f: {  	lr =	sadd.s32 s0, s3;
	s0 =	sld [smem:$0x3FA6]  }
0x30: {  	s3 =	sld [smem:$0x3FA9]  }
0x31: {  	[smem:$0x3FB2] =	sst s10  }
0x32: {  	s10 =	sld [smem:$0x3FB0];
	_ =	sdelay $0x3  }
0x33: {  	p0 =	seq.s32 s10, $0x1;
	s10 =	sld [smem:$0x3FB2];
	_ =	sdelay $0x3  }
0x34: {  	[smem:$0x3FB2] =	sst s10  }
0x35: {  	s10 =	sld [smem:$0x3FB1];
	_ =	sdelay $0x3  }
0x36: {  	p1 =	seq.s32 s10, $0x1;
	s10 =	sld [smem:$0x3FB2];
	_ =	sdelay $0x3  }
0x37: {  	[smem:$0x3FB2] =	sst s10  }
0x38: {  	s10 =	sld [smem:$0x3FB3]  }
0x39: {  	_ = 	snop;
	(pc) =	sbr.ind lr, $3  }
0x3a: {  	_ = 	snop  }
0x3b: {  	_ = 	snop  }
0x3c: {  	p2 =	seq.s32 s10, $0x1;
	s10 =	sld [smem:$0x3FB2]  }
0x3d: {  	_ =	shalt  }
0x3e: {  	_ =	shalt  }
0x3f: {  	_ =	shalt  }
0x40: {  	_ =	shalt  }
0x41: {  	_ =	shalt  }
0x42: {  	_ =	shalt  }
0x43: {  	_ =	shalt  }
0x44: {  	_ =	shalt  }
0x45: {  	_ =	shalt  }
0x46: {  	_ =	shalt  }
0x47: {  	_ =	shalt  }
0x48: {  	_ =	shalt  }
0x49: {  	_ =	shalt  }
0x4a: {  	_ =	shalt  }
0x4b: {  	_ =	shalt  }
0x4c: {  	_ =	shalt  }
0x4d: {  	_ =	shalt  }
0x4e: {  	_ =	shalt  }
0x4f: {  	_ =	shalt  }
0x50: {  	_ =	shalt  }
0x51: {  	_ =	shalt  }
0x52: {  	_ =	shalt  }
0x53: {  	_ =	shalt  }
0x54: {  	_ =	shalt  }
0x55: {  	_ =	shalt  }
0x56: {  	_ =	shalt  }
0x57: {  	_ =	shalt  }
0x58: {  	_ =	shalt  }
0x59: {  	_ =	shalt  }
0x5a: {  	_ =	shalt  }
0x5b: {  	_ =	shalt  }
0x5c: {  	_ =	shalt  }
0x5d: {  	_ =	shalt  }
0x5e: {  	_ =	shalt  }
0x5f: {  	_ =	shalt  }
0x60: {  	_ =	shalt  }
0x61: {  	_ =	shalt  }
0x62: {  	_ =	shalt  }
0x63: {  	_ =	shalt  }
0x64: {  	_ =	shalt  }
0x65: {  	_ =	shalt  }
0x66: {  	_ =	shalt  }
0x67: {  	_ =	shalt  }
0x68: {  	_ =	shalt  }
0x69: {  	_ =	shalt  }
0x6a: {  	_ =	shalt  }
0x6b: {  	_ =	shalt  }
0x6c: {  	_ =	shalt  }
0x6d: {  	_ =	shalt  }
0x6e: {  	_ =	shalt  }
0x6f: {  	_ =	shalt  }
0x70: {  	_ =	shalt  }
0x71: {  	_ =	shalt  }
0x72: {  	_ =	shalt  }
0x73: {  	_ =	shalt  }
0x74: {  	_ =	shalt  }
0x75: {  	_ =	shalt  }
0x76: {  	_ =	shalt  }
0x77: {  	_ =	shalt  }
0x78: {  	_ =	shalt  }
0x79: {  	_ =	shalt  }
0x7a: {  	_ =	shalt  }
0x7b: {  	_ =	shalt  }
0x7c: {  	_ =	shalt  }
0x7d: {  	_ =	shalt  }
0x7e: {  	_ =	shalt  }
0x7f: {  	_ =	shalt  }
0x80: {  	_ =	shalt  }
0x81: {  	_ =	shalt  }
0x82: {  	_ =	shalt  }
0x83: {  	_ =	shalt  }
0x84: {  	_ =	shalt  }
0x85: {  	_ =	shalt  }
0x86: {  	_ =	shalt  }
0x87: {  	_ =	shalt  }
.Lfunc_end0:
.L_simem_size_0:
called_computation_lowered:
.L_overlay_start_0:
0x88: {  	s2 =	sld [smem:$0x3FD9]  }
0x89: {  	s3 =	sld [smem:$0x3FFE];
	_ =	sdelay $0x1  }
0x8a: {  	s1 =	srdreg.scid  }
0x8b: {  	s0 =	sand.u32 $0x1, s1  }
0x8c: {  	s16 =	sshll.u32 s0, $0xA;
	s2 =	sadd.s32 s3, s2  }
0x8d: {  	s2 =	sadd.s32 s2, s16  }
0x8e: {  	[smem:$0x3FBE] =	sst s2  }
0x8f: {  	_ = 	snop  }
0x90: {  	(tm) =	ssettm $0x1  }
0x91: {  	s17 =	sld [smem:$0x3FFB];
	_ =	sdelay $0x3  }
0x92: {  	_ =	strace s17  }
0x93: {  	s2 =	sld [smem:$0x3FFC];
	_ =	sdelay $0x3  }
0x94: {  	_ =	strace s2  }
0x95: {  	s2 =	sld [smem:$0x3FFD];
	_ =	sdelay $0x3  }
0x96: {  	_ =	strace s2  }
0x97: {  	_ =	strace $0x8FFFFFFF  }
0x98: {  	s18 =	sld [smem:$0x3FDB];
	_ =	sdelay $0x1  }
0x99: {  	s19 =	simm.s32 $_scs_section_size  }
0x9a: {  	s4 =	simm.s32 $_size__tile_overlayer_lowered;
	s5 =	simm.s32 $_tile_overlayer_lowered  }
0x9b: {  	s22 =	simm.s32 $0x1BFF;
	s21 =	sshll.u32 s5, $0x1;
	s2 =	sadd.s32 s19, s18  }
0x9c: {  	s6 =	simm.s32 $0x0;
	s20 =	sshll.u32 s4, $0x1;
	s4 =	sadd.s32 s21, s2  }
0x9d: {  	[timem:s6], [sflag:s22] =	dma.local [hbm:s4], s20  }
0x9e: {  	_ =	swait.ge [sflag:s22], s20  }
0x9f: {  	s3 =	ssub.s32 $0x0, s20;
	[sflag:s22] =	ssyncset.done $0x0  }
0xa0: {  	[sflag:s22] =	ssyncadd.s32 s3;
	_ =	sdelay $0x1  }
0xa1: {  	s23 =	simm.s32 $0x1B8B  }
0xa2: {  	_ =	swait.ge [sflag:s23], $0x1  }
0xa3: {  	[sflag:s23] =	ssyncset.done $0x0  }
0xa4: {  	s25 =	simm.s32 $0x1B8E;
	s24 =	sld [smem:$0x3FFE];
	[sflag:s23] =	ssyncadd.s32 $0xFFFFFFFF  }
0xa5: {  	s26 =	simm.s32 $execute0_lowered;
	[smem:$0x3FD2] =	sst s25  }
0xa6: {  	s4 =	sshll.u32 s26, $0x1;
	_ =	strace $0x80000046;
	[dreg:$0x1] =	wrdreg $0xFFFFFFFF  }
0xa7: {  	s28 =	simm.s32 $_size_execute0_lowered;
	s2 =	sadd.s32 s2, s4;
	[dreg:$0x0] =	wrdreg $0x0  }
0xa8: {  	s4 =	sshll.u32 s28, $0x1;
	[dreg:$0x2] =	wrdreg s2  }
0xa9: {  	[dreg:$0x3] =	wrdreg s4  }
0xaa: {  	[dreg:$0x4] =	wrdreg $0xC0  }
0xab: {  	_ =	task [dreg:s6], $0x5FFFF  }
0xac: {  	[dreg:$0x1] =	wrdreg $0xFFFFFFFF  }
0xad: {  	[dreg:$0x0] =	wrdreg $0x60  }
0xae: {  	[dreg:$0x2] =	wrdreg s24  }
0xaf: {  	[dreg:$0x3] =	wrdreg $0x9  }
0xb0: {  	_ =	task.clear_ibuf [dreg:s6], $0x4FFFF;
	_ =	strace $0x90000046  }
0xb1: {  	s29 =	simm.s32 $0x9;
	_ =	strace $0x80000048  }
0xb2: {  	_ =	swait.ge [sflag:s29], $0x1  }
0xb3: {  	[sflag:s29] =	ssyncadd.s32 $0xFFFFFFFF  }
0xb4: {  	_ =	strace $0x90000048  }
0xb5: {  	_ =	sfence  }
0xb6: {  	s30 =	sld [smem:$0x0];
	_ =	sdelay $0x2  }
0xb7: {  	s31 =	sshll.u32 s1, $0xD;
	s1 =	sshrl.u32 s1, $0x2  }
0xb8: {  	s3 =	sand.u32 $0x4000, s31;
	s1 =	sadd.s32 s1, s30  }
0xb9: {  	s0 =	sor.u32 s3, s0;
	s1 =	sshll.u32 s1, $0x11  }
0xba: {  	s0 =	sor.u32 s1, s0  }
0xbb: {  	s0 =	sadd.s32 $0x8F2B, s0  }
0xbc: {  	[sflag:s0] =	ssyncadd.remote.s32 $0x1  }
0xbd: {  	_ =	sfence.sel $0xFFFF  }
0xbe: {  	[dreg:$0x0] =	wrdreg $0xFFFFFFFF;
	(pc) =	sbr.abs _section_cstart, $3  }
0xbf: {  	[dreg:$0x1] =	wrdreg $0xFFFFFFFF  }
0xc0: {  	_ =	task.clear_ibuf [dreg:s6], $0x2FFFF;
	_ =	strace $0x9FFFFFFF  }
0xc1: {  	(tm) =	ssettm $0x7FFFFFFF  }
tec
execute0_lowered:
.L_overlay_start_1:
0x0: {  	(tag) =	ssettag $0x1  }
0x1: {  	s1 =	srdreg.scid  }
0x2: {  	s0 =	stileid.u32;
	s4 =	rddreg [dreg:$0x0];
	s2 =	simm.s32 $0x0  }
0x3: {  	s11 =	simm.s32 $0x0;
	s5 =	sand.u32 $0x1, s1;
	s1 =	rddreg [dreg:$0x1]  }
0x4: {  	s3 =	sshll.u32 s0, $0x1;
	[smem:$0x7FF] =	sst s2;
	s7 =	smul.u32 $0x4F000, s0  }
0x5: {  	s3 =	sor.u32 s5, s3;
	_ =	strace $0x80000047;
	s10 =	smul.u32 $0x27800, s5  }
0x6: {  	s8 =	ssub.s32 $0x2, s5;
	s6 =	smul.u32 $0x500, s3;
	s3 =	sadd.s32 $0x3EA00, s4  }
0x7: {  	s9 =	sshrl.u32 s8, $0x1;
	s30 =	sadd.s32 s7, s4;
	s7 =	simm.s32 $0x2  }
0x8: {  	s31 =	ssub.s32 s8, s9;
	s8 =	simm.s32 $0x80;
	s9 =	simm.s32 $0x2800  }
0x9: {  	s29 =	sadd.s32 s6, s4;
	s5 =	smax.u32 s31, $0x1;
	s6 =	sadd.s32 s10, s30  }
0xa: {  	s10 =	simm.s32 $0x1;
	s4 =	sadd.s32 $0x2C00, s29;
	s6 =	sadd.s32 $0x65C00, s6  }
.LBB2_1:
0xb: {  	[tilespmem:s2], [sflag:$0x2] =	stream.linear.gather [hbm4b:s4+s2], $0x2780, $0x38;
	[tilespmem:$0x6800] =	vst v63  }
0xc: {  	_ =	swait.ge [sflag:s7], $0x2780  }
0xd: {  	[sflag:s7] =	ssyncset.done $0x0  }
0xe: {  	s12 =	simm.s32 $0x0;
	[sflag:s7] =	ssyncadd.s32 $0xFFFFD880  }
0xf: {  	[tilespmem:s9], [sflag:$0x1] =	stream.indirect.gather [hbm4b:s3+s8], $0x80, s12, s8, $0xb8;
	[tilespmem:$0x6800] =	vst v63  }
0x10: {  	_ =	swait.ge [sflag:s10], $0x4000  }
0x11: {  	[sflag:s10] =	ssyncset.done $0x0  }
0x12: {  	[sflag:s10] =	ssyncadd.s32 $0xFFFFC000  }
0x13: {  	[hbm4b:s6+s2] =	stream.linear.scatter [tilespmem:s9], [sflag:$0x2], $0x4000, $0x38;
	[tilespmem:$0x6800] =	vst v63  }
0x14: {  	s13 =	simm.s32 $0x200;
	_ =	swait.ge [sflag:s7], $0x4000  }
0x15: {  	s14 =	simm.s32 $0x400;
	s12 =	sadd.s32 $0x800, s6;
	[sflag:s7] =	ssyncset.done $0x0  }
.LBB2_2:
0x16: {  	s15 =	sshra.s32 s13, $0x2  }
0x17: {  	[sflag:s7] =	ssyncadd.s32 $0xFFFFC000;
	s13 =	smov.u32 s14;
	s16 =	sadd.s32 $0x200, s14  }
0x18: {  	[tilespmem:s9], [sflag:$0x1] =	stream.indirect.gather [hbm4b:s3+s8], $0x80, s15, s8, $0xb8;
	[tilespmem:$0x6800] =	vst v63  }
0x19: {  	p0 =	sne.s32 s14, $0x9C00;
	_ =	swait.ge [sflag:s10], $0x4000  }
.Ltmp0:
0x1a: {  	[sflag:s10] =	ssyncset.done $0x0;
	(pc) =	sbr.rel @p0 .LBB2_2-.Ltmp0, $4  }
0x1b: {  	[sflag:s10] =	ssyncadd.s32 $0xFFFFC000  }
0x1c: {  	[hbm4b:s12+s2] =	stream.linear.scatter [tilespmem:s9], [sflag:$0x2], $0x4000, $0x38;
	[tilespmem:$0x6800] =	vst v63  }
0x1d: {  	_ =	swait.ge [sflag:s7], $0x4000  }
0x1e: {  	s14 =	smov.u32 s16;
	s12 =	sadd.s32 $0x800, s12;
	[sflag:s7] =	ssyncset.done $0x0  }
0x1f: {  	s13 =	sshra.s32 s13, $0x2;
	[sflag:s7] =	ssyncadd.s32 $0xFFFFC000  }
0x20: {  	[tilespmem:s9], [sflag:$0x1] =	stream.indirect.gather [hbm4b:s3+s8], $0x80, s13, s8, $0xb8;
	[tilespmem:$0x6800] =	vst v63  }
0x21: {  	s11 =	sadd.s32 $0x1, s11;
	_ =	swait.ge [sflag:s10], $0x4000  }
0x22: {  	p0 =	sne.s32 s11, s5;
	[sflag:s10] =	ssyncset.done $0x0  }
.Ltmp1:
0x23: {  	[sflag:s10] =	ssyncadd.s32 $0xFFFFC000;
	(pc) =	sbr.rel @p0 .LBB2_1-.Ltmp1, $4  }
0x24: {  	[hbm4b:s12+s2] =	stream.linear.scatter [tilespmem:s9], [sflag:$0x2], $0x4000, $0x38;
	[tilespmem:$0x6800] =	vst v63  }
0x25: {  	_ =	swait.ge [sflag:s7], $0x4000  }
0x26: {  	[sflag:s7] =	ssyncset.done $0x0  }
0x27: {  	[sflag:s7] =	ssyncadd.s32 $0xFFFFC000  }
0x28: {  	_ =	sfence.sel $0x180000  }
0x29: {  	[bflag:$0x0] =	sbarrier.arrive $0xFFFF  }
0x2a: {  	p0 =	sne.s32 s0, $0x0;
	_ =	strace $0x90000047  }
0x2b: {  	s0 =	sadd.s32 @!p0 $0x100000, s1;
	[bflag:$0x2] =	sbarrier.arrive $0xFFFF  }
0x2c: {  	[sflag:s0] =	ssyncadd.tile.s32 @!p0 $0x1;
	_ =	shalt  }
.Lfunc_end2:
_tile_overlayer_lowered:
.L_overlay_start_2:
0x2d: {  	(tag) =	ssettag $0x2  }
0x2e: {  	s0 =	rddreg [dreg:$0x0];
	s2 =	stileid.u32  }
0x2f: {  	s1 =	rddreg [dreg:$0x1];
	p0 =	sne.s32 s2, $0x0  }
0x30: {  	s3 =	rddreg [dreg:$0x2];
	[bflag:$0x3] =	sbarrier.arrive $0xFFFF;
	s2 =	simm.s32 @!p0 $0x1C02  }
0x31: {  	[timem:s3], [sflag:s2] =	dma.local @!p0 [hbm:s0], s1  }
0x32: {  	s0 =	simm.s32 @!p0 $0x2  }
0x33: {  	_ =	swait.ge @!p0 [sflag:s0], s1  }
0x34: {  	s1 =	ssub.s32 @!p0 $0x0, s1;
	[sflag:s0] =	ssyncset.done @!p0 $0x0  }
0x35: {  	[sflag:s0] =	ssyncadd.s32 @!p0 s1  }
0x36: {  	[bflag:$0x3] =	sbarrier.arrive $0xFFFF  }
0x37: {  	_ =	shalt  }

// kernel: kernel.13.cloned.1.call-start
scs
__scs_entry_jumppad:
0x0: {  	(pc) =	sbr.rel $0x88, $3  }
0x1: {  	(tag) =	ssettag $0x0;
	lr =	simm.s32 $0x1  }
0x2: {  	[smem:$0x3F97] =	sst lr;
	_ =	strace $0xD0000000  }
0x3: {  	_ = 	snop  }
0x4: {  	_ = 	snop  }
0x5: {  	_ = 	snop  }
0x6: {  	_ = 	snop  }
0x7: {  	_ = 	snop  }
__scs_overlays_trampoline_lowered:
0x8: {  	[smem:$0x3FA6] =	sst s0  }
0x9: {  	[smem:$0x3FA7] =	sst s1  }
0xa: {  	[smem:$0x3FA8] =	sst s2  }
0xb: {  	[smem:$0x3FA9] =	sst s3  }
0xc: {  	[smem:$0x3FAA] =	sst s4  }
0xd: {  	[smem:$0x3FAB] =	sst s5  }
0xe: {  	[smem:$0x3FAC] =	sst s6  }
0xf: {  	[smem:$0x3FAD] =	sst s7  }
0x10: {  	[smem:$0x3FAE] =	sst s8  }
0x11: {  	[smem:$0x3FAF] =	sst s9;
	s0 =	simm.s32 @!p0 $0x0  }
0x12: {  	s1 =	sld [smem:$0x3F95];
	s0 =	simm.s32 @p0 $0x1  }
0x13: {  	[smem:$0x3FB0] =	sst s0;
	s0 =	simm.s32 @!p1 $0x0  }
0x14: {  	s2 =	sld [smem:$0x3F94];
	s0 =	simm.s32 @p1 $0x1  }
0x15: {  	[smem:$0x3FB1] =	sst s0;
	s0 =	simm.s32 @!p2 $0x0  }
0x16: {  	s3 =	sld [smem:$0x3FDB];
	s0 =	simm.s32 @p2 $0x1  }
0x17: {  	s4 =	simm.s32 $0x1BF5;
	[smem:$0x3FB3] =	sst s0  }
0x18: {  	s0 =	sld [smem:$0x3F96];
	_ =	swait.ge [sflag:s4], $0x0  }
0x19: {  	s7 =	sld [smem:$0x3F97]  }
0x1a: {  	s8 =	sadd.s32 $0xFFFFE003, lr  }
0x1b: {  	s9 =	sadd.s32 $0xFFFFFEF7, lr;
	s5 =	simm.s32 $0xFFFFFFFF;
	p2 =	slt.u32 s8, $0xFFFFF086  }
0x1c: {  	p1 =	slt.u32 s9, $0xF7A;
	s5 =	simm.s32 @!p2 $0x0  }
0x1d: {  	s5 =	simm.s32 @p1 $0x1;
	p0 =	seq.s32 s7, s2  }
0x1e: {  	s7 =	smul.u32 @!p0 $0xF7A, s2;
	p2 =	seq.s32 @!p0 s5, $0x0  }
0x1f: {  	s9 =	smul.u32 $0xF7A, s1;
	s8 =	simm.s32 @!p0 $0x1BF5;
	p2 =	por !p2, p0  }
0x20: {  	[sflag:s8] =	ssyncset.s32 @!p0 $0xFFFFF086;
	s6 =	sadd.s32 @!p0 s3, s7;
	s7 =	simm.s32 @!p0 $0x108  }
0x21: {  	s3 =	sadd.s32 s3, s9;
	s6 =	sadd.s32 @!p0 $0x88, s6;
	s7 =	simm.s32 @p2 $0x1082  }
0x22: {  	[simem:s7], [sflag:s8] =	dma.local @!p0 [hbm:s6], $0xF7A  }
0x23: {  	s9 =	sor.u32 $0xD0000000, s2;
	s6 =	simm.s32 $0x108;
	_ =	swait.ge @!p0 [sflag:s8], $0x0  }
0x24: {  	s3 =	sadd.s32 $0x88, s3;
	s6 =	simm.s32 @!p1 $0x1082;
	[sflag:s4] =	ssyncset.s32 $0xFFFFF086  }
0x25: {  	[simem:s6], [sflag:s4] =	dma.local [hbm:s3], $0xF7A  }
0x26: {  	[smem:$0x3F97] =	sst s1;
	(tag) =	ssettag s2;
	_ =	strace s9  }
0x27: {  	s1 =	sld [smem:$0x3FA7]  }
0x28: {  	s2 =	sld [smem:$0x3FA8]  }
0x29: {  	s4 =	sld [smem:$0x3FAA]  }
0x2a: {  	p0 =	seq.s32 s5, $0x0;
	s5 =	sld [smem:$0x3FAB]  }
0x2b: {  	s6 =	sld [smem:$0x3FAC]  }
0x2c: {  	s7 =	sld [smem:$0x3FAD]  }
0x2d: {  	s3 =	simm.s32 $0x108;
	s8 =	sld [smem:$0x3FAE]  }
0x2e: {  	s3 =	simm.s32 @!p0 $0x1082;
	s9 =	sld [smem:$0x3FAF]  }
0x2f: {  	lr =	sadd.s32 s0, s3;
	s0 =	sld [smem:$0x3FA6]  }
0x30: {  	s3 =	sld [smem:$0x3FA9]  }
0x31: {  	[smem:$0x3FB2] =	sst s10  }
0x32: {  	s10 =	sld [smem:$0x3FB0];
	_ =	sdelay $0x3  }
0x33: {  	p0 =	seq.s32 s10, $0x1;
	s10 =	sld [smem:$0x3FB2];
	_ =	sdelay $0x3  }
0x34: {  	[smem:$0x3FB2] =	sst s10  }
0x35: {  	s10 =	sld [smem:$0x3FB1];
	_ =	sdelay $0x3  }
0x36: {  	p1 =	seq.s32 s10, $0x1;
	s10 =	sld [smem:$0x3FB2];
	_ =	sdelay $0x3  }
0x37: {  	[smem:$0x3FB2] =	sst s10  }
0x38: {  	s10 =	sld [smem:$0x3FB3]  }
0x39: {  	_ = 	snop;
	(pc) =	sbr.ind lr, $3  }
0x3a: {  	_ = 	snop  }
0x3b: {  	_ = 	snop  }
0x3c: {  	p2 =	seq.s32 s10, $0x1;
	s10 =	sld [smem:$0x3FB2]  }
0x3d: {  	_ =	shalt  }
0x3e: {  	_ =	shalt  }
0x3f: {  	_ =	shalt  }
0x40: {  	_ =	shalt  }
0x41: {  	_ =	shalt  }
0x42: {  	_ =	shalt  }
0x43: {  	_ =	shalt  }
0x44: {  	_ =	shalt  }
0x45: {  	_ =	shalt  }
0x46: {  	_ =	shalt  }
0x47: {  	_ =	shalt  }
0x48: {  	_ =	shalt  }
0x49: {  	_ =	shalt  }
0x4a: {  	_ =	shalt  }
0x4b: {  	_ =	shalt  }
0x4c: {  	_ =	shalt  }
0x4d: {  	_ =	shalt  }
0x4e: {  	_ =	shalt  }
0x4f: {  	_ =	shalt  }
0x50: {  	_ =	shalt  }
0x51: {  	_ =	shalt  }
0x52: {  	_ =	shalt  }
0x53: {  	_ =	shalt  }
0x54: {  	_ =	shalt  }
0x55: {  	_ =	shalt  }
0x56: {  	_ =	shalt  }
0x57: {  	_ =	shalt  }
0x58: {  	_ =	shalt  }
0x59: {  	_ =	shalt  }
0x5a: {  	_ =	shalt  }
0x5b: {  	_ =	shalt  }
0x5c: {  	_ =	shalt  }
0x5d: {  	_ =	shalt  }
0x5e: {  	_ =	shalt  }
0x5f: {  	_ =	shalt  }
0x60: {  	_ =	shalt  }
0x61: {  	_ =	shalt  }
0x62: {  	_ =	shalt  }
0x63: {  	_ =	shalt  }
0x64: {  	_ =	shalt  }
0x65: {  	_ =	shalt  }
0x66: {  	_ =	shalt  }
0x67: {  	_ =	shalt  }
0x68: {  	_ =	shalt  }
0x69: {  	_ =	shalt  }
0x6a: {  	_ =	shalt  }
0x6b: {  	_ =	shalt  }
0x6c: {  	_ =	shalt  }
0x6d: {  	_ =	shalt  }
0x6e: {  	_ =	shalt  }
0x6f: {  	_ =	shalt  }
0x70: {  	_ =	shalt  }
0x71: {  	_ =	shalt  }
0x72: {  	_ =	shalt  }
0x73: {  	_ =	shalt  }
0x74: {  	_ =	shalt  }
0x75: {  	_ =	shalt  }
0x76: {  	_ =	shalt  }
0x77: {  	_ =	shalt  }
0x78: {  	_ =	shalt  }
0x79: {  	_ =	shalt  }
0x7a: {  	_ =	shalt  }
0x7b: {  	_ =	shalt  }
0x7c: {  	_ =	shalt  }
0x7d: {  	_ =	shalt  }
0x7e: {  	_ =	shalt  }
0x7f: {  	_ =	shalt  }
0x80: {  	_ =	shalt  }
0x81: {  	_ =	shalt  }
0x82: {  	_ =	shalt  }
0x83: {  	_ =	shalt  }
0x84: {  	_ =	shalt  }
0x85: {  	_ =	shalt  }
0x86: {  	_ =	shalt  }
0x87: {  	_ =	shalt  }
.Lfunc_end0:
.L_simem_size_0:
called_computation.1_lowered:
.L_overlay_start_0:
0x88: {  	s2 =	sld [smem:$0x3FD9]  }
0x89: {  	s3 =	sld [smem:$0x3FFE];
	_ =	sdelay $0x1  }
0x8a: {  	s1 =	srdreg.scid  }
0x8b: {  	s0 =	sand.u32 $0x1, s1  }
0x8c: {  	s16 =	sshll.u32 s0, $0xA;
	s2 =	sadd.s32 s3, s2  }
0x8d: {  	s2 =	sadd.s32 s2, s16  }
0x8e: {  	[smem:$0x3FBE] =	sst s2  }
0x8f: {  	_ = 	snop  }
0x90: {  	(tm) =	ssettm $0x1  }
0x91: {  	s17 =	sld [smem:$0x3FFB];
	_ =	sdelay $0x3  }
0x92: {  	_ =	strace s17  }
0x93: {  	s2 =	sld [smem:$0x3FFC];
	_ =	sdelay $0x3  }
0x94: {  	_ =	strace s2  }
0x95: {  	s2 =	sld [smem:$0x3FFD];
	_ =	sdelay $0x3  }
0x96: {  	_ =	strace s2  }
0x97: {  	_ =	strace $0x8FFFFFFF  }
0x98: {  	s18 =	sld [smem:$0x3FDB];
	_ =	sdelay $0x1  }
0x99: {  	s19 =	simm.s32 $_scs_section_size  }
0x9a: {  	s4 =	simm.s32 $_size__tile_overlayer_lowered;
	s5 =	simm.s32 $_tile_overlayer_lowered  }
0x9b: {  	s22 =	simm.s32 $0x1BFF;
	s21 =	sshll.u32 s5, $0x1;
	s2 =	sadd.s32 s19, s18  }
0x9c: {  	s6 =	simm.s32 $0x0;
	s20 =	sshll.u32 s4, $0x1;
	s4 =	sadd.s32 s21, s2  }
0x9d: {  	[timem:s6], [sflag:s22] =	dma.local [hbm:s4], s20  }
0x9e: {  	_ =	swait.ge [sflag:s22], s20  }
0x9f: {  	s3 =	ssub.s32 $0x0, s20;
	[sflag:s22] =	ssyncset.done $0x0  }
0xa0: {  	[sflag:s22] =	ssyncadd.s32 s3;
	_ =	sdelay $0x1  }
0xa1: {  	s23 =	simm.s32 $0x1B8B  }
0xa2: {  	_ =	swait.ge [sflag:s23], $0x1  }
0xa3: {  	[sflag:s23] =	ssyncset.done $0x0  }
0xa4: {  	s25 =	simm.s32 $0x1B8E;
	s24 =	sld [smem:$0x3FFE];
	[sflag:s23] =	ssyncadd.s32 $0xFFFFFFFF  }
0xa5: {  	s26 =	simm.s32 $execute0_lowered;
	[smem:$0x3FD2] =	sst s25  }
0xa6: {  	s4 =	sshll.u32 s26, $0x1;
	_ =	strace $0x80000049;
	[dreg:$0x1] =	wrdreg $0xFFFFFFFF  }
0xa7: {  	s28 =	simm.s32 $_size_execute0_lowered;
	s2 =	sadd.s32 s2, s4;
	[dreg:$0x0] =	wrdreg $0x0  }
0xa8: {  	s4 =	sshll.u32 s28, $0x1;
	[dreg:$0x2] =	wrdreg s2  }
0xa9: {  	[dreg:$0x3] =	wrdreg s4  }
0xaa: {  	[dreg:$0x4] =	wrdreg $0xC0  }
0xab: {  	_ =	task [dreg:s6], $0x5FFFF  }
0xac: {  	[dreg:$0x1] =	wrdreg $0xFFFFFFFF  }
0xad: {  	[dreg:$0x0] =	wrdreg $0x60  }
0xae: {  	[dreg:$0x2] =	wrdreg s24  }
0xaf: {  	[dreg:$0x3] =	wrdreg $0x9  }
0xb0: {  	_ =	task.clear_ibuf [dreg:s6], $0x4FFFF;
	_ =	strace $0x90000049  }
0xb1: {  	s29 =	simm.s32 $0x9;
	_ =	strace $0x8000004B  }
0xb2: {  	_ =	swait.ge [sflag:s29], $0x1  }
0xb3: {  	[sflag:s29] =	ssyncadd.s32 $0xFFFFFFFF  }
0xb4: {  	_ =	strace $0x9000004B  }
0xb5: {  	_ =	sfence  }
0xb6: {  	s30 =	sld [smem:$0x0];
	_ =	sdelay $0x2  }
0xb7: {  	s31 =	sshll.u32 s1, $0xD;
	s1 =	sshrl.u32 s1, $0x2  }
0xb8: {  	s3 =	sand.u32 $0x4000, s31;
	s1 =	sadd.s32 s1, s30  }
0xb9: {  	s0 =	sor.u32 s3, s0;
	s1 =	sshll.u32 s1, $0x11  }
0xba: {  	s0 =	sor.u32 s1, s0  }
0xbb: {  	s0 =	sadd.s32 $0x8F2B, s0  }
0xbc: {  	[sflag:s0] =	ssyncadd.remote.s32 $0x1  }
0xbd: {  	_ =	sfence.sel $0xFFFF  }
0xbe: {  	[dreg:$0x0] =	wrdreg $0xFFFFFFFF;
	(pc) =	sbr.abs _section_cstart, $3  }
0xbf: {  	[dreg:$0x1] =	wrdreg $0xFFFFFFFF  }
0xc0: {  	_ =	task.clear_ibuf [dreg:s6], $0x2FFFF;
	_ =	strace $0x9FFFFFFF  }
0xc1: {  	(tm) =	ssettm $0x7FFFFFFF  }
tec
execute0_lowered:
.L_overlay_start_1:
0x0: {  	(tag) =	ssettag $0x1  }
0x1: {  	s1 =	srdreg.scid  }
0x2: {  	s0 =	stileid.u32;
	s4 =	rddreg [dreg:$0x0];
	s2 =	simm.s32 $0x0  }
0x3: {  	s11 =	simm.s32 $0x0;
	s5 =	sand.u32 $0x1, s1;
	s1 =	rddreg [dreg:$0x1]  }
0x4: {  	s3 =	sshll.u32 s0, $0x1;
	[smem:$0x7FF] =	sst s2;
	s7 =	smul.u32 $0x4F000, s0  }
0x5: {  	s3 =	sor.u32 s5, s3;
	_ =	strace $0x8000004A;
	s10 =	smul.u32 $0x27800, s5  }
0x6: {  	s8 =	ssub.s32 $0x2, s5;
	s6 =	smul.u32 $0x500, s3;
	s3 =	sadd.s32 $0x3EA00, s4  }
0x7: {  	s9 =	sshrl.u32 s8, $0x1;
	s30 =	sadd.s32 s7, s4;
	s7 =	simm.s32 $0x2  }
0x8: {  	s31 =	ssub.s32 s8, s9;
	s8 =	simm.s32 $0x80;
	s9 =	simm.s32 $0x2800  }
0x9: {  	s29 =	sadd.s32 s6, s4;
	s5 =	smax.u32 s31, $0x1;
	s6 =	sadd.s32 s10, s30  }
0xa: {  	s10 =	simm.s32 $0x1;
	s4 =	sadd.s32 $0x2C00, s29;
	s6 =	sadd.s32 $0x65C00, s6  }
.LBB2_1:
0xb: {  	[tilespmem:s2], [sflag:$0x2] =	stream.linear.gather [hbm4b:s4+s2], $0x2780, $0x38;
	[tilespmem:$0x6800] =	vst v63  }
0xc: {  	_ =	swait.ge [sflag:s7], $0x2780  }
0xd: {  	[sflag:s7] =	ssyncset.done $0x0  }
0xe: {  	s12 =	simm.s32 $0x0;
	[sflag:s7] =	ssyncadd.s32 $0xFFFFD880  }
0xf: {  	[tilespmem:s9], [sflag:$0x1] =	stream.indirect.gather [hbm4b:s3+s8], $0x80, s12, s8, $0xb8;
	[tilespmem:$0x6800] =	vst v63  }
0x10: {  	_ =	swait.ge [sflag:s10], $0x4000  }
0x11: {  	[sflag:s10] =	ssyncset.done $0x0  }
0x12: {  	[sflag:s10] =	ssyncadd.s32 $0xFFFFC000  }
0x13: {  	[hbm4b:s6+s2] =	stream.linear.scatter [tilespmem:s9], [sflag:$0x2], $0x4000, $0x38;
	[tilespmem:$0x6800] =	vst v63  }
0x14: {  	s13 =	simm.s32 $0x200;
	_ =	swait.ge [sflag:s7], $0x4000  }
0x15: {  	s14 =	simm.s32 $0x400;
	s12 =	sadd.s32 $0x800, s6;
	[sflag:s7] =	ssyncset.done $0x0  }
.LBB2_2:
0x16: {  	s15 =	sshra.s32 s13, $0x2  }
0x17: {  	[sflag:s7] =	ssyncadd.s32 $0xFFFFC000;
	s13 =	smov.u32 s14;
	s16 =	sadd.s32 $0x200, s14  }
0x18: {  	[tilespmem:s9], [sflag:$0x1] =	stream.indirect.gather [hbm4b:s3+s8], $0x80, s15, s8, $0xb8;
	[tilespmem:$0x6800] =	vst v63  }
0x19: {  	p0 =	sne.s32 s14, $0x9C00;
	_ =	swait.ge [sflag:s10], $0x4000  }
.Ltmp0:
0x1a: {  	[sflag:s10] =	ssyncset.done $0x0;
	(pc) =	sbr.rel @p0 .LBB2_2-.Ltmp0, $4  }
0x1b: {  	[sflag:s10] =	ssyncadd.s32 $0xFFFFC000  }
0x1c: {  	[hbm4b:s12+s2] =	stream.linear.scatter [tilespmem:s9], [sflag:$0x2], $0x4000, $0x38;
	[tilespmem:$0x6800] =	vst v63  }
0x1d: {  	_ =	swait.ge [sflag:s7], $0x4000  }
0x1e: {  	s14 =	smov.u32 s16;
	s12 =	sadd.s32 $0x800, s12;
	[sflag:s7] =	ssyncset.done $0x0  }
0x1f: {  	s13 =	sshra.s32 s13, $0x2;
	[sflag:s7] =	ssyncadd.s32 $0xFFFFC000  }
0x20: {  	[tilespmem:s9], [sflag:$0x1] =	stream.indirect.gather [hbm4b:s3+s8], $0x80, s13, s8, $0xb8;
	[tilespmem:$0x6800] =	vst v63  }
0x21: {  	s11 =	sadd.s32 $0x1, s11;
	_ =	swait.ge [sflag:s10], $0x4000  }
0x22: {  	p0 =	sne.s32 s11, s5;
	[sflag:s10] =	ssyncset.done $0x0  }
.Ltmp1:
0x23: {  	[sflag:s10] =	ssyncadd.s32 $0xFFFFC000;
	(pc) =	sbr.rel @p0 .LBB2_1-.Ltmp1, $4  }
0x24: {  	[hbm4b:s12+s2] =	stream.linear.scatter [tilespmem:s9], [sflag:$0x2], $0x4000, $0x38;
	[tilespmem:$0x6800] =	vst v63  }
0x25: {  	_ =	swait.ge [sflag:s7], $0x4000  }
0x26: {  	[sflag:s7] =	ssyncset.done $0x0  }
0x27: {  	[sflag:s7] =	ssyncadd.s32 $0xFFFFC000  }
0x28: {  	_ =	sfence.sel $0x180000  }
0x29: {  	[bflag:$0x0] =	sbarrier.arrive $0xFFFF  }
0x2a: {  	p0 =	sne.s32 s0, $0x0;
	_ =	strace $0x9000004A  }
0x2b: {  	s0 =	sadd.s32 @!p0 $0x100000, s1;
	[bflag:$0x2] =	sbarrier.arrive $0xFFFF  }
0x2c: {  	[sflag:s0] =	ssyncadd.tile.s32 @!p0 $0x1;
	_ =	shalt  }
.Lfunc_end2:
_tile_overlayer_lowered:
.L_overlay_start_2:
0x2d: {  	(tag) =	ssettag $0x2  }
0x2e: {  	s0 =	rddreg [dreg:$0x0];
	s2 =	stileid.u32  }
0x2f: {  	s1 =	rddreg [dreg:$0x1];
	p0 =	sne.s32 s2, $0x0  }
0x30: {  	s3 =	rddreg [dreg:$0x2];
	[bflag:$0x3] =	sbarrier.arrive $0xFFFF;
	s2 =	simm.s32 @!p0 $0x1C02  }
0x31: {  	[timem:s3], [sflag:s2] =	dma.local @!p0 [hbm:s0], s1  }
0x32: {  	s0 =	simm.s32 @!p0 $0x2  }
0x33: {  	_ =	swait.ge @!p0 [sflag:s0], s1  }
0x34: {  	s1 =	ssub.s32 @!p0 $0x0, s1;
	[sflag:s0] =	ssyncset.done @!p0 $0x0  }
0x35: {  	[sflag:s0] =	ssyncadd.s32 @!p0 s1  }
0x36: {  	[bflag:$0x3] =	sbarrier.arrive $0xFFFF  }
0x37: {  	_ =	shalt  }

</sc_bundles>
